<compile_context>
chip_gen: v7x
topology: tpu7x:2x2x1
jax: 0.10.2.dev20260603
libtpu: 0.0.44.dev20260713+nightly
codegen_flags: <defaults>
</compile_context>

<pallas_src>
import functools

import jax
import jax.numpy as jnp
from jax import lax
from jax.experimental import pallas as pl
from jax.experimental.pallas import tpu as pltpu
from jax.experimental.pallas import tpu_sc as plsc

NC = 2
NS = 16
LN = 16

FH = 128


def _sc_mesh():
    return plsc.VectorSubcoreMesh(
        core_axis_name="c", subcore_axis_name="s", num_cores=NC, num_subcores=NS
    )


@functools.partial(jax.jit, static_argnums=(1, 2, 3))
def _sc_degrees(dstp, ROWS, K, N_pad):
    STRIPE = N_pad // NS

    @functools.partial(
        pl.kernel,
        out_type=jax.ShapeDtypeStruct((NC, N_pad), jnp.float32),
        mesh=_sc_mesh(),
        scratch_types=[
            pltpu.VMEM((ROWS, K), jnp.int32),
            pltpu.VMEM((K,), jnp.float32),
            pltpu.VMEM((STRIPE,), jnp.float32),
            pltpu.VMEM_SHARED((N_pad,), jnp.float32),
        ],
    )
    def k(dst_hbm, out_hbm, dst_v, ones_v, zb_v, deg_sh):
        c = lax.axis_index("c")
        s = lax.axis_index("s")
        t = c * NS + s
        zero16 = jnp.zeros((LN,), jnp.float32)
        one16 = jnp.ones((LN,), jnp.float32)

        def z1(i, carry):
            zb_v[pl.ds(i * LN, LN)] = zero16
            return carry

        lax.fori_loop(0, STRIPE // LN, z1, 0)

        def o1(i, carry):
            ones_v[pl.ds(i * LN, LN)] = one16
            return carry

        lax.fori_loop(0, K // LN, o1, 0)

        pltpu.sync_copy(zb_v, deg_sh.at[pl.ds(s * STRIPE, STRIPE)])
        pltpu.sync_copy(dst_hbm.at[pl.ds(t * ROWS, ROWS)], dst_v)
        plsc.subcore_barrier()

        def cb(j, carry):
            pltpu.sync_copy(ones_v, deg_sh.at[dst_v.at[j]], add=True)
            return carry

        lax.fori_loop(0, ROWS, cb, 0)

        plsc.subcore_barrier()
        pltpu.sync_copy(deg_sh.at[pl.ds(s * STRIPE, STRIPE)], zb_v)
        pltpu.sync_copy(zb_v, out_hbm.at[c, pl.ds(s * STRIPE, STRIPE)])

    return k(dstp)


NBUF = 2
SPLIT = 2


@functools.partial(jax.jit, static_argnums=(4, 5, 6, 7))
def _sc_aggregate(u0, u1, src2, dst2, R, N_pad, K, NPASS):
    CH = R // NS
    STRIPE = N_pad // NS
    OUT_CH = STRIPE // K
    KS = K // SPLIT
    assert CH % (NPASS * NBUF) == 0 and OUT_CH >= NBUF and KS % 8 == 0

    @functools.partial(
        pl.kernel,
        out_type=(
            jax.ShapeDtypeStruct((N_pad, FH), jnp.float32),
            jax.ShapeDtypeStruct((N_pad, FH), jnp.float32),
        ),
        mesh=_sc_mesh(),
        scratch_types=[
            pltpu.VMEM((CH // NPASS, K), jnp.int32),
            pltpu.VMEM((CH // NPASS, K), jnp.int32),
            pltpu.VMEM((K, FH), jnp.float32),
            pltpu.VMEM((K, FH), jnp.float32),
            pltpu.VMEM_SHARED((N_pad, FH), jnp.float32),
            pltpu.SemaphoreType.DMA,
            pltpu.SemaphoreType.DMA,
        ],
    )
    def k(u0_hbm, u1_hbm, src_hbm, dst_hbm, a0_hbm, a1_hbm,
          src_v, dst_v, buf0_v, buf1_v, acc_sh, sem0, sem1):
        c = lax.axis_index("c")
        s = lax.axis_index("s")
        bufs = [buf0_v, buf1_v]
        gsems = [sem0, sem1]
        HC = CH // NPASS

        zero16 = jnp.zeros((LN,), jnp.float32)

        def zf(i, carry):
            r = i // (FH // LN)
            q = i % (FH // LN)
            buf0_v[r, pl.ds(q * LN, LN)] = zero16
            return carry

        lax.fori_loop(0, K * FH // LN, zf, 0)
        for j in range(OUT_CH):
            pltpu.sync_copy(buf0_v, acc_sh.at[pl.ds(s * STRIPE + j * K, K)])

        def run_half(u_hbm, out_hbm):
            def gstart(t, b):
                for h in range(SPLIT):
                    pltpu.async_copy(
                        u_hbm.at[src_v.at[t, pl.ds(h * KS, KS)]],
                        bufs[b].at[pl.ds(h * KS, KS)], gsems[b])

            def gwait(t, b):
                for h in range(SPLIT):
                    pltpu.make_async_copy(
                        u_hbm.at[src_v.at[t, pl.ds(h * KS, KS)]],
                        bufs[b].at[pl.ds(h * KS, KS)], gsems[b]).wait()

            def sdo(t, b):
                pltpu.sync_copy(bufs[b], acc_sh.at[dst_v.at[t]], add=True)

            for p in range(NPASS):
                pltpu.sync_copy(
                    src_hbm.at[pl.ds(s * CH + p * HC, HC)], src_v)
                pltpu.sync_copy(
                    dst_hbm.at[pl.ds(s * CH + p * HC, HC)], dst_v)
                for b in range(NBUF):
                    gstart(b, b)
                if p == 0:
                    plsc.subcore_barrier()

                def cb(g, carry):
                    for b in range(NBUF):
                        t = g + b
                        gwait(t, b)
                        sdo(t, b)

                        @pl.when(t + NBUF < HC)
                        def _():
                            gstart(t + NBUF, b)

                    return carry

                lax.fori_loop(0, HC // NBUF, lambda i, cc: cb(i * NBUF, cc), 0)
            plsc.subcore_barrier()

            for j in range(OUT_CH):
                b = j % NBUF
                if j >= NBUF:
                    poff = s * STRIPE + (j - NBUF) * K
                    pltpu.make_async_copy(
                        bufs[b], out_hbm.at[pl.ds(poff, K)], gsems[b]).wait()
                off = s * STRIPE + j * K
                pltpu.sync_copy(acc_sh.at[pl.ds(off, K)], bufs[b])
                pltpu.async_copy(bufs[b], out_hbm.at[pl.ds(off, K)], gsems[b])
            for j in range(OUT_CH - NBUF, OUT_CH):
                b = j % NBUF
                off = s * STRIPE + j * K
                pltpu.make_async_copy(
                    bufs[b], out_hbm.at[pl.ds(off, K)], gsems[b]).wait()

        @pl.when(c == 0)
        def _():
            run_half(u0_hbm, a0_hbm)

        @pl.when(c == 1)
        def _():
            run_half(u1_hbm, a1_hbm)

    return k(u0, u1, src2, dst2)


def _mm1_body(x_ref, w_ref, d0_ref, d1_ref, out_ref):
    inv = lax.rsqrt(d0_ref[...] + d1_ref[...] + 1.0)
    acc = jnp.dot(x_ref[...], w_ref[...], preferred_element_type=jnp.float32)
    out_ref[...] = (acc * inv)[None]


def _tc_mm1(x, W, d0, d1, N, H, RB):
    ng = N // RB
    return pl.pallas_call(
        _mm1_body,
        grid=(ng, 2),
        in_specs=[
            pl.BlockSpec((RB, H), lambda i, j: (i, 0)),
            pl.BlockSpec((H, FH), lambda i, j: (0, j)),
            pl.BlockSpec((RB, 1), lambda i, j: (i, 0)),
            pl.BlockSpec((RB, 1), lambda i, j: (i, 0)),
        ],
        out_specs=pl.BlockSpec((1, RB, FH), lambda i, j: (j, i, 0)),
        out_shape=jax.ShapeDtypeStruct((2, N, FH), jnp.float32),
    )(x, W, d0, d1)


def _layer_body(a0_ref, a1_ref, u0_ref, u1_ref, d0_ref, d1_ref, b_ref, w_ref,
                out_ref):
    inv = lax.rsqrt(d0_ref[...] + d1_ref[...] + 1.0)
    b = b_ref[...]
    z0 = jnp.maximum(inv * (a0_ref[...] + u0_ref[...]) + b[:, :FH], 0.0)
    z1 = jnp.maximum(inv * (a1_ref[...] + u1_ref[...]) + b[:, FH:], 0.0)
    z = jnp.concatenate([z0, z1], axis=1)
    acc = jnp.dot(z, w_ref[...], preferred_element_type=jnp.float32)
    out_ref[...] = (acc * inv)[None]


def _tc_layer(a0, a1, u0, u1, d0, d1, b2, W, N, H, RB):
    ng = N // RB
    return pl.pallas_call(
        _layer_body,
        grid=(ng, 2),
        in_specs=[
            pl.BlockSpec((RB, FH), lambda i, j: (i, 0)),
            pl.BlockSpec((RB, FH), lambda i, j: (i, 0)),
            pl.BlockSpec((RB, FH), lambda i, j: (i, 0)),
            pl.BlockSpec((RB, FH), lambda i, j: (i, 0)),
            pl.BlockSpec((RB, 1), lambda i, j: (i, 0)),
            pl.BlockSpec((RB, 1), lambda i, j: (i, 0)),
            pl.BlockSpec((1, H), lambda i, j: (0, 0)),
            pl.BlockSpec((H, FH), lambda i, j: (0, j)),
        ],
        out_specs=pl.BlockSpec((1, RB, FH), lambda i, j: (j, i, 0)),
        out_shape=jax.ShapeDtypeStruct((2, N, FH), jnp.float32),
    )(a0, a1, u0, u1, d0, d1, b2, W)


def _final_body(a0_ref, a1_ref, u0_ref, u1_ref, d0_ref, d1_ref, b_ref,
                batch_ref, wl_ref, bl_ref, out_ref, psum, cnt, *, G, RB, ng):
    i = pl.program_id(0)

    @pl.when(i == 0)
    def _():
        psum[...] = jnp.zeros_like(psum)
        cnt[...] = jnp.zeros_like(cnt)

    inv = lax.rsqrt(d0_ref[...] + d1_ref[...] + 1.0)
    b = b_ref[...]
    z0 = jnp.maximum(inv * (a0_ref[...] + u0_ref[...]) + b[:, :FH], 0.0)
    z1 = jnp.maximum(inv * (a1_ref[...] + u1_ref[...]) + b[:, FH:], 0.0)
    z = jnp.concatenate([z0, z1], axis=1)

    bb = batch_ref[...]
    gids = lax.broadcasted_iota(jnp.int32, (RB, G), 1)
    P = (gids == bb).astype(jnp.float32)
    psum[...] += lax.dot_general(
        P, z, (((0,), (0,)), ((), ())),
        preferred_element_type=jnp.float32)
    csum = lax.dot_general(
        P, jnp.ones((RB, 1), jnp.float32), (((0,), (0,)), ((), ())),
        preferred_element_type=jnp.float32)
    cnt[...] += jnp.broadcast_to(csum, cnt.shape)

    @pl.when(i == ng - 1)
    def _():
        c = jnp.maximum(cnt[...], 1.0)
        pooled = psum[...] / jnp.concatenate([c, c], axis=1)
        out_ref[...] = (
            jnp.dot(pooled, wl_ref[...], preferred_element_type=jnp.float32)
            + bl_ref[...]
        )


def _tc_final(a0, a1, u0, u1, d0, d1, b2, batch2, Wl, bl2, N, H, G, C, RB):
    ng = N // RB
    return pl.pallas_call(
        functools.partial(_final_body, G=G, RB=RB, ng=ng),
        grid=(ng,),
        in_specs=[
            pl.BlockSpec((RB, FH), lambda i: (i, 0)),
            pl.BlockSpec((RB, FH), lambda i: (i, 0)),
            pl.BlockSpec((RB, FH), lambda i: (i, 0)),
            pl.BlockSpec((RB, FH), lambda i: (i, 0)),
            pl.BlockSpec((RB, 1), lambda i: (i, 0)),
            pl.BlockSpec((RB, 1), lambda i: (i, 0)),
            pl.BlockSpec((1, H), lambda i: (0, 0)),
            pl.BlockSpec((RB, 1), lambda i: (i, 0)),
            pl.BlockSpec((H, C), lambda i: (0, 0)),
            pl.BlockSpec((1, C), lambda i: (0, 0)),
        ],
        out_specs=pl.BlockSpec((G, C), lambda i: (0, 0)),
        out_shape=jax.ShapeDtypeStruct((G, C), jnp.float32),
        scratch_shapes=[
            pltpu.VMEM((G, 2 * FH), jnp.float32),
            pltpu.VMEM((G, FH), jnp.float32),
        ],
    )(a0, a1, u0, u1, d0, d1, b2, batch2, Wl, bl2)


def kernel(x, edge_index, batch, dropout, W1, b1, Wh0, bh0, Wh1, bh1, Wl, bl):
    N, D = x.shape
    H = W1.shape[1]
    C = Wl.shape[1]
    E = edge_index.shape[1]
    G = 64
    K = 80
    KA = 128
    NPASS = 10
    RB = 1000
    N_pad = ((N + NS * KA - 1) // (NS * KA)) * (NS * KA)

    src = edge_index[0].astype(jnp.int32)
    dst = edge_index[1].astype(jnp.int32)

    R = ((-(-E // K) + NC * NS * 8 - 1) // (NC * NS * 8)) * (NC * NS * 8)
    EPAD = R * K
    srcf = jnp.concatenate([src, jnp.zeros((EPAD - E,), jnp.int32)])
    dstf = jnp.concatenate([dst, jnp.full((EPAD - E,), N, jnp.int32)])
    dstp = dstf.reshape(R, K)
    RA = EPAD // KA
    srcA = srcf.reshape(RA, KA)
    dstA = dstf.reshape(RA, KA)
    ROWS = R // (NC * NS)

    degp = _sc_degrees(dstp, ROWS, K, N_pad)
    d0 = degp[0, :N].reshape(N, 1)
    d1 = degp[1, :N].reshape(N, 1)

    batch2 = batch.astype(jnp.int32).reshape(N, 1)
    b1_2 = b1.reshape(1, H)
    bh0_2 = bh0.reshape(1, H)
    bh1_2 = bh1.reshape(1, H)
    bl_2 = bl.reshape(1, C)

    uu = _tc_mm1(x, W1, d0, d1, N, H, RB)
    u0, u1 = uu[0], uu[1]

    a0, a1 = _sc_aggregate(u0, u1, srcA, dstA, RA, N_pad, KA, NPASS)
    uu = _tc_layer(a0[:N], a1[:N], u0, u1, d0, d1, b1_2, Wh0, N, H, RB)
    u0, u1 = uu[0], uu[1]

    a0, a1 = _sc_aggregate(u0, u1, srcA, dstA, RA, N_pad, KA, NPASS)
    uu = _tc_layer(a0[:N], a1[:N], u0, u1, d0, d1, bh0_2, Wh1, N, H, RB)
    u0, u1 = uu[0], uu[1]

    a0, a1 = _sc_aggregate(u0, u1, srcA, dstA, RA, N_pad, KA, NPASS)
    out = _tc_final(a0[:N], a1[:N], u0, u1, d0, d1, bh1_2, batch2, Wl, bl_2,
                    N, H, G, C, RB)
    return out

# --- scband reference (transcript-rebuilt; emitter-appended) ---
"""Pipeline reference for scband-gcn-33500744909179 (READ-ONLY COPY).

The authoritative reference and input builder live on the scoring server;
editing this copy changes nothing except your own understanding.
"""

import jax, jax.numpy as jnp
import numpy as np

N = 10000
E = 160000
D = 256
H = 256
C = 64
G = 64


def setup_inputs(seed: int = 0) -> dict:
    key = jax.random.key(seed)
    ks = jax.random.split(key, 12)
    x = jax.random.normal(ks[0], (N, D), dtype=jnp.float32)
    edge_index = jax.random.randint(ks[1], (2, E), 0, N)
    batch = jnp.sort(jax.random.randint(ks[2], (N,), 0, G))
    s_in = 1.0 / np.sqrt(D)
    s_h = 1.0 / np.sqrt(H)
    W1 = jax.random.normal(ks[3], (D, H), dtype=jnp.float32) * s_in
    b1 = jnp.zeros((H,), dtype=jnp.float32)
    Wh0 = jax.random.normal(ks[4], (H, H), dtype=jnp.float32) * s_h
    bh0 = jnp.zeros((H,), dtype=jnp.float32)
    Wh1 = jax.random.normal(ks[5], (H, H), dtype=jnp.float32) * s_h
    bh1 = jnp.zeros((H,), dtype=jnp.float32)
    Wl = jax.random.normal(ks[6], (H, C), dtype=jnp.float32) * s_h
    bl = jnp.zeros((C,), dtype=jnp.float32)
    return {"x": x, "edge_index": edge_index, "batch": batch, "dropout": 0,
            "W1": W1, "b1": b1, "Wh0": Wh0, "bh0": bh0, "Wh1": Wh1, "bh1": bh1,
            "Wl": Wl, "bl": bl}


def _gcn_layer(x, fsrc, fdst, norm, W, b):
    h = x @ W
    msg = h[fsrc] * norm[:, None]
    out = jax.ops.segment_sum(msg, fdst, num_segments=N)
    return out + b


def reference(x, edge_index, batch, dropout, W1, b1, Wh0, bh0, Wh1, bh1, Wl, bl):
    src = edge_index[0]
    dst = edge_index[1]
    loop = jnp.arange(N, dtype=src.dtype)
    fsrc = jnp.concatenate([src, loop])
    fdst = jnp.concatenate([dst, loop])
    # symmetric GCN normalization with self-loops
    deg = jax.ops.segment_sum(jnp.ones(fdst.shape[0], dtype=jnp.float32), fdst, num_segments=N)
    inv_sqrt = jnp.where(deg > 0, 1.0 / jnp.sqrt(deg), 0.0)
    norm = inv_sqrt[fsrc] * inv_sqrt[fdst]
    h = jax.nn.relu(_gcn_layer(x, fsrc, fdst, norm, W1, b1))
    h = jax.nn.relu(_gcn_layer(h, fsrc, fdst, norm, Wh0, bh0))
    h = jax.nn.relu(_gcn_layer(h, fsrc, fdst, norm, Wh1, bh1))
    # global mean pool over graphs in the batch
    summed = jax.ops.segment_sum(h, batch, num_segments=G)
    counts = jax.ops.segment_sum(jnp.ones((N,), dtype=jnp.float32), batch, num_segments=G)
    pooled = summed / jnp.maximum(counts, 1.0)[:, None]
    # F.dropout with p=dropout in eval mode (and p=0) is identity
    out = pooled @ Wl + bl
    return out

if __name__ == "__main__":
    import jax
    _d = setup_inputs()
    print(jax.jit(kernel)(*tuple(_d.values())))

</pallas_src>

<mosaic_0001>
#map = affine_map<(d0, d1) -> (0, 0)>
module attributes {stable_mosaic.version = 14 : i64} {
  func.func @k(%arg0: i32, %arg1: i32, %arg2: memref<2048x80xi32, #tpu.memory_space<hbm>>, %arg3: memref<2x10240xf32, #tpu.memory_space<hbm>>, %arg4: memref<64x80xi32, #tpu.memory_space<vmem>>, %arg5: memref<80xf32, #tpu.memory_space<vmem>>, %arg6: memref<640xf32, #tpu.memory_space<vmem>>, %arg7: memref<10240xf32, #tpu.memory_space<vmem_shared>>) attributes {dimension_semantics = [#tpu.dimension_semantics<core_parallel>, #tpu.dimension_semantics<subcore_parallel>], iteration_bounds = array<i64: 2, 16>, scalar_prefetch = 0 : i64, scratch_operands = 4 : i64, tpu.core_type = #tpu.core_type<sc_vector_subcore>, window_params = [{transform_indices = #map}, {transform_indices = #map}]} {
    %mul3A = arith.constant 16 : i32
    %mul3A_0 = arith.muli %arg0, %mul3A : i32
    %add3A = arith.addi %mul3A_0, %arg1 : i32
    %broadcast_in_dim3A = arith.constant 0.000000e+00 : f32
    %broadcast_in_dim3A_1 = vector.broadcast %broadcast_in_dim3A : f32 to vector<16xf32>
    %broadcast_in_dim3A_2 = arith.constant 1.000000e+00 : f32
    %broadcast_in_dim3A_3 = vector.broadcast %broadcast_in_dim3A_2 : f32 to vector<16xf32>
    %scan3A = arith.constant 0 : i32
    %scan3A_4 = arith.constant 0 : i32
    %scan3A_5 = arith.constant 40 : i32
    %scan3A_6 = arith.addi %scan3A_4, %scan3A_5 : i32
    %scan3A_7 = arith.constant 1 : i32
    scf.for %scan3A_30 = %scan3A_4 to %scan3A_6 step %scan3A_7  : i32 {
      %mul3A_31 = arith.constant 16 : i32
      %mul3A_32 = arith.muli %scan3A_30, %mul3A_31 : i32
      %swap3A = arith.index_cast %mul3A_32 : i32 to index
      %swap3A_33 = tpu.vector_load %arg6[%swap3A] {strides = array<i32>} : memref<640xf32, #tpu.memory_space<vmem>>, vector<16xf32>,
      %swap3A_34 = vector.shape_cast %swap3A_33 : vector<16xf32> to vector<16xf32>
      %swap3A_35 = vector.shape_cast %broadcast_in_dim3A_1 : vector<16xf32> to vector<16xf32>
      tpu.vector_store %arg6[%swap3A], %swap3A_35 {strides = array<i32>} : memref<640xf32, #tpu.memory_space<vmem>>, vector<16xf32>,
    }
    %scan3A_8 = arith.constant 40 : i32
    %scan3A_9 = arith.constant 0 : i32
    %scan3A_10 = arith.constant 0 : i32
    %scan3A_11 = arith.constant 5 : i32
    %scan3A_12 = arith.addi %scan3A_10, %scan3A_11 : i32
    %scan3A_13 = arith.constant 1 : i32
    scf.for %scan3A_30 = %scan3A_10 to %scan3A_12 step %scan3A_13  : i32 {
      %mul3A_31 = arith.constant 16 : i32
      %mul3A_32 = arith.muli %scan3A_30, %mul3A_31 : i32
      %swap3A = arith.index_cast %mul3A_32 : i32 to index
      %swap3A_33 = tpu.vector_load %arg5[%swap3A] {strides = array<i32>} : memref<80xf32, #tpu.memory_space<vmem>>, vector<16xf32>,
      %swap3A_34 = vector.shape_cast %swap3A_33 : vector<16xf32> to vector<16xf32>
      %swap3A_35 = vector.shape_cast %broadcast_in_dim3A_3 : vector<16xf32> to vector<16xf32>
      tpu.vector_store %arg5[%swap3A], %swap3A_35 {strides = array<i32>} : memref<80xf32, #tpu.memory_space<vmem>>, vector<16xf32>,
    }
    %scan3A_14 = arith.constant 5 : i32
    %mul3A_15 = arith.constant 640 : i32
    %mul3A_16 = arith.muli %arg1, %mul3A_15 : i32
    "tpu.region"() ({
      %run_scoped3A = tpu.sem_alloc : memref<!tpu.dma_semaphore, #tpu.memory_space<semaphore_mem>>
      %dma_start3A = tpu.memref_slice %arg7[%mul3A_16] : memref<10240xf32, #tpu.memory_space<vmem_shared>> -> memref<640xf32, #tpu.memory_space<vmem_shared>>
      %dma_start3A_30 = tpu.memref_slice %arg7[%mul3A_16] : memref<10240xf32, #tpu.memory_space<vmem_shared>> -> memref<640xf32, #tpu.memory_space<vmem_shared>>
      tpu.enqueue_dma source(%arg6 : memref<640xf32, #tpu.memory_space<vmem>>) target(%dma_start3A_30 : memref<640xf32, #tpu.memory_space<vmem_shared>>) target_semaphore(%run_scoped3A : memref<!tpu.dma_semaphore, #tpu.memory_space<semaphore_mem>>)
      %dma_wait3A = tpu.memref_slice %arg7[%mul3A_16] : memref<10240xf32, #tpu.memory_space<vmem_shared>> -> memref<640xf32, #tpu.memory_space<vmem_shared>>
      %dma_wait3A_31 = tpu.memref_slice %arg7[%mul3A_16] : memref<10240xf32, #tpu.memory_space<vmem_shared>> -> memref<640xf32, #tpu.memory_space<vmem_shared>>
      tpu.wait_dma2 semaphore(%run_scoped3A : memref<!tpu.dma_semaphore, #tpu.memory_space<semaphore_mem>>) src(%arg6 : memref<640xf32, #tpu.memory_space<vmem>>) dst(%dma_wait3A_31 : memref<640xf32, #tpu.memory_space<vmem_shared>>)
      tpu.yield
    }) : () -> ()
    %mul3A_17 = arith.constant 64 : i32
    %mul3A_18 = arith.muli %add3A, %mul3A_17 : i32
    "tpu.region"() ({
      %run_scoped3A = tpu.sem_alloc : memref<!tpu.dma_semaphore, #tpu.memory_space<semaphore_mem>>
      %dma_start3A = arith.constant 0 : i32
      %dma_start3A_30 = tpu.memref_slice %arg2[%mul3A_18, %dma_start3A] : memref<2048x80xi32, #tpu.memory_space<hbm>> -> memref<64x80xi32, #tpu.memory_space<hbm>>
      %dma_start3A_31 = arith.constant 0 : i32
      %dma_start3A_32 = tpu.memref_slice %arg2[%mul3A_18, %dma_start3A_31] : memref<2048x80xi32, #tpu.memory_space<hbm>> -> memref<64x80xi32, #tpu.memory_space<hbm>>
      tpu.enqueue_dma source(%dma_start3A_32 : memref<64x80xi32, #tpu.memory_space<hbm>>) target(%arg4 : memref<64x80xi32, #tpu.memory_space<vmem>>) target_semaphore(%run_scoped3A : memref<!tpu.dma_semaphore, #tpu.memory_space<semaphore_mem>>)
      %dma_wait3A = arith.constant 0 : i32
      %dma_wait3A_33 = tpu.memref_slice %arg2[%mul3A_18, %dma_wait3A] : memref<2048x80xi32, #tpu.memory_space<hbm>> -> memref<64x80xi32, #tpu.memory_space<hbm>>
      %dma_wait3A_34 = arith.constant 0 : i32
      %dma_wait3A_35 = tpu.memref_slice %arg2[%mul3A_18, %dma_wait3A_34] : memref<2048x80xi32, #tpu.memory_space<hbm>> -> memref<64x80xi32, #tpu.memory_space<hbm>>
      tpu.wait_dma2 semaphore(%run_scoped3A : memref<!tpu.dma_semaphore, #tpu.memory_space<semaphore_mem>>) src(%dma_wait3A_35 : memref<64x80xi32, #tpu.memory_space<hbm>>) dst(%arg4 : memref<64x80xi32, #tpu.memory_space<vmem>>)
      tpu.yield
    }) : () -> ()
    %barrier3A = arith.constant 0 : index
    tpu.barrier barrier_id(%barrier3A)
    %scan3A_19 = arith.constant 0 : i32
    %scan3A_20 = arith.constant 0 : i32
    %scan3A_21 = arith.constant 64 : i32
    %scan3A_22 = arith.addi %scan3A_20, %scan3A_21 : i32
    %scan3A_23 = arith.constant 1 : i32
    scf.for %scan3A_30 = %scan3A_20 to %scan3A_22 step %scan3A_23  : i32 {
      "tpu.region"() ({
        %run_scoped3A = tpu.sem_alloc : memref<!tpu.dma_semaphore, #tpu.memory_space<semaphore_mem>>
        %dma_start3A = arith.constant 0 : i32
        %dma_start3A_31 = tpu.memref_slice %arg4[%scan3A_30, %dma_start3A] : memref<64x80xi32, #tpu.memory_space<vmem>> -> memref<1x80xi32, #tpu.memory_space<vmem>>
        %dma_start3A_32 = tpu.memref_squeeze %dma_start3A_31 : memref<1x80xi32, #tpu.memory_space<vmem>> -> memref<80xi32, #tpu.memory_space<vmem>>
        %dma_start3A_33 = arith.constant 0 : i32
        %dma_start3A_34 = tpu.memref_slice %arg7[%dma_start3A_33] : memref<10240xf32, #tpu.memory_space<vmem_shared>> -> memref<10240xf32, #tpu.memory_space<vmem_shared>>
        tpu.enqueue_indirect_dma source(%arg5 : memref<80xf32, #tpu.memory_space<vmem>>) target(%dma_start3A_34 : memref<10240xf32, #tpu.memory_space<vmem_shared>>) offsets(%dma_start3A_32 : memref<80xi32, #tpu.memory_space<vmem>>) semaphore(%run_scoped3A : memref<!tpu.dma_semaphore, #tpu.memory_space<semaphore_mem>>) {add = true}
        %dma_wait3A = arith.constant 0 : i32
        %dma_wait3A_35 = tpu.memref_slice %arg4[%scan3A_30, %dma_wait3A] : memref<64x80xi32, #tpu.memory_space<vmem>> -> memref<1x80xi32, #tpu.memory_space<vmem>>
        %dma_wait3A_36 = tpu.memref_squeeze %dma_wait3A_35 : memref<1x80xi32, #tpu.memory_space<vmem>> -> memref<80xi32, #tpu.memory_space<vmem>>
        %dma_wait3A_37 = arith.constant 0 : i32
        %dma_wait3A_38 = tpu.memref_slice %arg7[%dma_wait3A_37] : memref<10240xf32, #tpu.memory_space<vmem_shared>> -> memref<10240xf32, #tpu.memory_space<vmem_shared>>
        tpu.wait_indirect_dma semaphore(%run_scoped3A : memref<!tpu.dma_semaphore, #tpu.memory_space<semaphore_mem>>) src(%arg5 : memref<80xf32, #tpu.memory_space<vmem>>) dst(%dma_wait3A_38 : memref<10240xf32, #tpu.memory_space<vmem_shared>>)
        tpu.yield
      }) : () -> ()
    }
    %scan3A_24 = arith.constant 64 : i32
    %barrier3A_25 = arith.constant 0 : index
    tpu.barrier barrier_id(%barrier3A_25)
    %mul3A_26 = arith.constant 640 : i32
    %mul3A_27 = arith.muli %arg1, %mul3A_26 : i32
    "tpu.region"() ({
      %run_scoped3A = tpu.sem_alloc : memref<!tpu.dma_semaphore, #tpu.memory_space<semaphore_mem>>
      %dma_start3A = tpu.memref_slice %arg7[%mul3A_27] : memref<10240xf32, #tpu.memory_space<vmem_shared>> -> memref<640xf32, #tpu.memory_space<vmem_shared>>
      %dma_start3A_30 = tpu.memref_slice %arg7[%mul3A_27] : memref<10240xf32, #tpu.memory_space<vmem_shared>> -> memref<640xf32, #tpu.memory_space<vmem_shared>>
      tpu.enqueue_dma source(%dma_start3A_30 : memref<640xf32, #tpu.memory_space<vmem_shared>>) target(%arg6 : memref<640xf32, #tpu.memory_space<vmem>>) target_semaphore(%run_scoped3A : memref<!tpu.dma_semaphore, #tpu.memory_space<semaphore_mem>>)
      %dma_wait3A = tpu.memref_slice %arg7[%mul3A_27] : memref<10240xf32, #tpu.memory_space<vmem_shared>> -> memref<640xf32, #tpu.memory_space<vmem_shared>>
      %dma_wait3A_31 = tpu.memref_slice %arg7[%mul3A_27] : memref<10240xf32, #tpu.memory_space<vmem_shared>> -> memref<640xf32, #tpu.memory_space<vmem_shared>>
      tpu.wait_dma2 semaphore(%run_scoped3A : memref<!tpu.dma_semaphore, #tpu.memory_space<semaphore_mem>>) src(%dma_wait3A_31 : memref<640xf32, #tpu.memory_space<vmem_shared>>) dst(%arg6 : memref<640xf32, #tpu.memory_space<vmem>>)
      tpu.yield
    }) : () -> ()
    %mul3A_28 = arith.constant 640 : i32
    %mul3A_29 = arith.muli %arg1, %mul3A_28 : i32
    "tpu.region"() ({
      %run_scoped3A = tpu.sem_alloc : memref<!tpu.dma_semaphore, #tpu.memory_space<semaphore_mem>>
      %dma_start3A = tpu.memref_slice %arg3[%arg0, %mul3A_29] : memref<2x10240xf32, #tpu.memory_space<hbm>> -> memref<1x640xf32, #tpu.memory_space<hbm>>
      %dma_start3A_30 = tpu.memref_squeeze %dma_start3A : memref<1x640xf32, #tpu.memory_space<hbm>> -> memref<640xf32, #tpu.memory_space<hbm>>
      %dma_start3A_31 = tpu.memref_slice %arg3[%arg0, %mul3A_29] : memref<2x10240xf32, #tpu.memory_space<hbm>> -> memref<1x640xf32, #tpu.memory_space<hbm>>
      %dma_start3A_32 = tpu.memref_squeeze %dma_start3A_31 : memref<1x640xf32, #tpu.memory_space<hbm>> -> memref<640xf32, #tpu.memory_space<hbm>>
      tpu.enqueue_dma source(%arg6 : memref<640xf32, #tpu.memory_space<vmem>>) target(%dma_start3A_32 : memref<640xf32, #tpu.memory_space<hbm>>) target_semaphore(%run_scoped3A : memref<!tpu.dma_semaphore, #tpu.memory_space<semaphore_mem>>)
      %dma_wait3A = tpu.memref_slice %arg3[%arg0, %mul3A_29] : memref<2x10240xf32, #tpu.memory_space<hbm>> -> memref<1x640xf32, #tpu.memory_space<hbm>>
      %dma_wait3A_33 = tpu.memref_squeeze %dma_wait3A : memref<1x640xf32, #tpu.memory_space<hbm>> -> memref<640xf32, #tpu.memory_space<hbm>>
      %dma_wait3A_34 = tpu.memref_slice %arg3[%arg0, %mul3A_29] : memref<2x10240xf32, #tpu.memory_space<hbm>> -> memref<1x640xf32, #tpu.memory_space<hbm>>
      %dma_wait3A_35 = tpu.memref_squeeze %dma_wait3A_34 : memref<1x640xf32, #tpu.memory_space<hbm>> -> memref<640xf32, #tpu.memory_space<hbm>>
      tpu.wait_dma2 semaphore(%run_scoped3A : memref<!tpu.dma_semaphore, #tpu.memory_space<semaphore_mem>>) src(%arg6 : memref<640xf32, #tpu.memory_space<vmem>>) dst(%dma_wait3A_35 : memref<640xf32, #tpu.memory_space<hbm>>)
      tpu.yield
    }) : () -> ()
    return
  }
}

</mosaic_0001>

<sc_bundles>
// kernel: _sc_degrees.3.cloned.1.call-start
scs
__scs_entry_jumppad:
0x0: {  	(pc) =	sbr.rel $0x88, $3  }
0x1: {  	(tag) =	ssettag $0x0;
	lr =	simm.s32 $0x1  }
0x2: {  	[smem:$0x3FA0] =	sst lr;
	_ =	strace $0xD0000000  }
0x3: {  	_ = 	snop  }
0x4: {  	_ = 	snop  }
0x5: {  	_ = 	snop  }
0x6: {  	_ = 	snop  }
0x7: {  	_ = 	snop  }
__scs_overlays_trampoline_lowered:
0x8: {  	[smem:$0x3FAF] =	sst s0  }
0x9: {  	[smem:$0x3FB0] =	sst s1  }
0xa: {  	[smem:$0x3FB1] =	sst s2  }
0xb: {  	[smem:$0x3FB2] =	sst s3  }
0xc: {  	[smem:$0x3FB3] =	sst s4  }
0xd: {  	[smem:$0x3FB4] =	sst s5  }
0xe: {  	[smem:$0x3FB5] =	sst s6  }
0xf: {  	[smem:$0x3FB6] =	sst s7  }
0x10: {  	[smem:$0x3FB7] =	sst s8  }
0x11: {  	[smem:$0x3FB8] =	sst s9;
	s0 =	simm.s32 @!p0 $0x0  }
0x12: {  	s1 =	sld [smem:$0x3F9E];
	s0 =	simm.s32 @p0 $0x1  }
0x13: {  	[smem:$0x3FB9] =	sst s0;
	s0 =	simm.s32 @!p1 $0x0  }
0x14: {  	s2 =	sld [smem:$0x3F9D];
	s0 =	simm.s32 @p1 $0x1  }
0x15: {  	[smem:$0x3FBA] =	sst s0;
	s0 =	simm.s32 @!p2 $0x0  }
0x16: {  	s3 =	sld [smem:$0x3FDB];
	s0 =	simm.s32 @p2 $0x1  }
0x17: {  	s4 =	simm.s32 $0x1BF5;
	[smem:$0x3FBC] =	sst s0  }
0x18: {  	s0 =	sld [smem:$0x3F9F];
	_ =	swait.ge [sflag:s4], $0x0  }
0x19: {  	s7 =	sld [smem:$0x3FA0]  }
0x1a: {  	s8 =	sadd.s32 $0xFFFFE003, lr  }
0x1b: {  	s9 =	sadd.s32 $0xFFFFFEF7, lr;
	s5 =	simm.s32 $0xFFFFFFFF;
	p2 =	slt.u32 s8, $0xFFFFF086  }
0x1c: {  	p1 =	slt.u32 s9, $0xF7A;
	s5 =	simm.s32 @!p2 $0x0  }
0x1d: {  	s5 =	simm.s32 @p1 $0x1;
	p0 =	seq.s32 s7, s2  }
0x1e: {  	s7 =	smul.u32 @!p0 $0xF7A, s2;
	p2 =	seq.s32 @!p0 s5, $0x0  }
0x1f: {  	s9 =	smul.u32 $0xF7A, s1;
	s8 =	simm.s32 @!p0 $0x1BF5;
	p2 =	por !p2, p0  }
0x20: {  	[sflag:s8] =	ssyncset.s32 @!p0 $0xFFFFF086;
	s6 =	sadd.s32 @!p0 s3, s7;
	s7 =	simm.s32 @!p0 $0x108  }
0x21: {  	s3 =	sadd.s32 s3, s9;
	s6 =	sadd.s32 @!p0 $0x88, s6;
	s7 =	simm.s32 @p2 $0x1082  }
0x22: {  	[simem:s7], [sflag:s8] =	dma.local @!p0 [hbm:s6], $0xF7A  }
0x23: {  	s9 =	sor.u32 $0xD0000000, s2;
	s6 =	simm.s32 $0x108;
	_ =	swait.ge @!p0 [sflag:s8], $0x0  }
0x24: {  	s3 =	sadd.s32 $0x88, s3;
	s6 =	simm.s32 @!p1 $0x1082;
	[sflag:s4] =	ssyncset.s32 $0xFFFFF086  }
0x25: {  	[simem:s6], [sflag:s4] =	dma.local [hbm:s3], $0xF7A  }
0x26: {  	[smem:$0x3FA0] =	sst s1;
	(tag) =	ssettag s2;
	_ =	strace s9  }
0x27: {  	s1 =	sld [smem:$0x3FB0]  }
0x28: {  	s2 =	sld [smem:$0x3FB1]  }
0x29: {  	s4 =	sld [smem:$0x3FB3]  }
0x2a: {  	p0 =	seq.s32 s5, $0x0;
	s5 =	sld [smem:$0x3FB4]  }
0x2b: {  	s6 =	sld [smem:$0x3FB5]  }
0x2c: {  	s7 =	sld [smem:$0x3FB6]  }
0x2d: {  	s3 =	simm.s32 $0x108;
	s8 =	sld [smem:$0x3FB7]  }
0x2e: {  	s3 =	simm.s32 @!p0 $0x1082;
	s9 =	sld [smem:$0x3FB8]  }
0x2f: {  	lr =	sadd.s32 s0, s3;
	s0 =	sld [smem:$0x3FAF]  }
0x30: {  	s3 =	sld [smem:$0x3FB2]  }
0x31: {  	[smem:$0x3FBB] =	sst s10  }
0x32: {  	s10 =	sld [smem:$0x3FB9];
	_ =	sdelay $0x3  }
0x33: {  	p0 =	seq.s32 s10, $0x1;
	s10 =	sld [smem:$0x3FBB];
	_ =	sdelay $0x3  }
0x34: {  	[smem:$0x3FBB] =	sst s10  }
0x35: {  	s10 =	sld [smem:$0x3FBA];
	_ =	sdelay $0x3  }
0x36: {  	p1 =	seq.s32 s10, $0x1;
	s10 =	sld [smem:$0x3FBB];
	_ =	sdelay $0x3  }
0x37: {  	[smem:$0x3FBB] =	sst s10  }
0x38: {  	s10 =	sld [smem:$0x3FBC]  }
0x39: {  	_ = 	snop;
	(pc) =	sbr.ind lr, $3  }
0x3a: {  	_ = 	snop  }
0x3b: {  	_ = 	snop  }
0x3c: {  	p2 =	seq.s32 s10, $0x1;
	s10 =	sld [smem:$0x3FBB]  }
0x3d: {  	_ =	shalt  }
0x3e: {  	_ =	shalt  }
0x3f: {  	_ =	shalt  }
0x40: {  	_ =	shalt  }
0x41: {  	_ =	shalt  }
0x42: {  	_ =	shalt  }
0x43: {  	_ =	shalt  }
0x44: {  	_ =	shalt  }
0x45: {  	_ =	shalt  }
0x46: {  	_ =	shalt  }
0x47: {  	_ =	shalt  }
0x48: {  	_ =	shalt  }
0x49: {  	_ =	shalt  }
0x4a: {  	_ =	shalt  }
0x4b: {  	_ =	shalt  }
0x4c: {  	_ =	shalt  }
0x4d: {  	_ =	shalt  }
0x4e: {  	_ =	shalt  }
0x4f: {  	_ =	shalt  }
0x50: {  	_ =	shalt  }
0x51: {  	_ =	shalt  }
0x52: {  	_ =	shalt  }
0x53: {  	_ =	shalt  }
0x54: {  	_ =	shalt  }
0x55: {  	_ =	shalt  }
0x56: {  	_ =	shalt  }
0x57: {  	_ =	shalt  }
0x58: {  	_ =	shalt  }
0x59: {  	_ =	shalt  }
0x5a: {  	_ =	shalt  }
0x5b: {  	_ =	shalt  }
0x5c: {  	_ =	shalt  }
0x5d: {  	_ =	shalt  }
0x5e: {  	_ =	shalt  }
0x5f: {  	_ =	shalt  }
0x60: {  	_ =	shalt  }
0x61: {  	_ =	shalt  }
0x62: {  	_ =	shalt  }
0x63: {  	_ =	shalt  }
0x64: {  	_ =	shalt  }
0x65: {  	_ =	shalt  }
0x66: {  	_ =	shalt  }
0x67: {  	_ =	shalt  }
0x68: {  	_ =	shalt  }
0x69: {  	_ =	shalt  }
0x6a: {  	_ =	shalt  }
0x6b: {  	_ =	shalt  }
0x6c: {  	_ =	shalt  }
0x6d: {  	_ =	shalt  }
0x6e: {  	_ =	shalt  }
0x6f: {  	_ =	shalt  }
0x70: {  	_ =	shalt  }
0x71: {  	_ =	shalt  }
0x72: {  	_ =	shalt  }
0x73: {  	_ =	shalt  }
0x74: {  	_ =	shalt  }
0x75: {  	_ =	shalt  }
0x76: {  	_ =	shalt  }
0x77: {  	_ =	shalt  }
0x78: {  	_ =	shalt  }
0x79: {  	_ =	shalt  }
0x7a: {  	_ =	shalt  }
0x7b: {  	_ =	shalt  }
0x7c: {  	_ =	shalt  }
0x7d: {  	_ =	shalt  }
0x7e: {  	_ =	shalt  }
0x7f: {  	_ =	shalt  }
0x80: {  	_ =	shalt  }
0x81: {  	_ =	shalt  }
0x82: {  	_ =	shalt  }
0x83: {  	_ =	shalt  }
0x84: {  	_ =	shalt  }
0x85: {  	_ =	shalt  }
0x86: {  	_ =	shalt  }
0x87: {  	_ =	shalt  }
.Lfunc_end0:
.L_simem_size_0:
called_computation_lowered:
.L_overlay_start_0:
0x88: {  	s2 =	sld [smem:$0x3FD9]  }
0x89: {  	s3 =	sld [smem:$0x3FFE];
	_ =	sdelay $0x1  }
0x8a: {  	s1 =	srdreg.scid  }
0x8b: {  	s0 =	sand.u32 $0x1, s1  }
0x8c: {  	s17 =	sshll.u32 s0, $0xA;
	s2 =	sadd.s32 s3, s2  }
0x8d: {  	s2 =	sadd.s32 s2, s17  }
0x8e: {  	[smem:$0x3FC7] =	sst s2  }
0x8f: {  	_ = 	snop  }
0x90: {  	s2 =	sld [smem:$0x3FD0];
	(tm) =	ssettm $0x1  }
0x91: {  	s18 =	sld [smem:$0x3FFB];
	_ =	sdelay $0x3  }
0x92: {  	_ =	strace s18  }
0x93: {  	s3 =	sld [smem:$0x3FFC];
	_ =	sdelay $0x3  }
0x94: {  	_ =	strace s3  }
0x95: {  	s3 =	sld [smem:$0x3FFD];
	_ =	sdelay $0x3  }
0x96: {  	_ =	strace s3  }
0x97: {  	_ =	strace $0x8FFFFFFF  }
0x98: {  	s19 =	sld [smem:$0x3FDB];
	_ =	sdelay $0x1  }
0x99: {  	s4 =	simm.s32 $_scs_section_size  }
0x9a: {  	s5 =	simm.s32 $_size__tile_overlayer_lowered;
	s6 =	simm.s32 $_tile_overlayer_lowered  }
0x9b: {  	s22 =	simm.s32 $0x1BFF;
	s21 =	sshll.u32 s6, $0x1;
	s3 =	sadd.s32 s4, s19  }
0x9c: {  	s7 =	simm.s32 $0x0;
	s20 =	sshll.u32 s5, $0x1;
	s5 =	sadd.s32 s21, s3  }
0x9d: {  	[timem:s7], [sflag:s22] =	dma.local [hbm:s5], s20  }
0x9e: {  	_ =	swait.ge [sflag:s22], s20  }
0x9f: {  	s4 =	ssub.s32 $0x0, s20;
	[sflag:s22] =	ssyncset.done $0x0  }
0xa0: {  	[sflag:s22] =	ssyncadd.s32 s4;
	_ =	sdelay $0x1  }
0xa1: {  	s23 =	simm.s32 $0x1B8B  }
0xa2: {  	_ =	swait.ge [sflag:s23], $0x1  }
0xa3: {  	[sflag:s23] =	ssyncset.done $0x0  }
0xa4: {  	s25 =	simm.s32 $0x1B8E;
	s24 =	sld [smem:$0x3FFE];
	[sflag:s23] =	ssyncadd.s32 $0xFFFFFFFF  }
0xa5: {  	s26 =	simm.s32 $execute0_lowered;
	[smem:$0x3FD2] =	sst s25  }
0xa6: {  	s5 =	sshll.u32 s26, $0x1;
	_ =	strace $0x80000046;
	[dreg:$0x1] =	wrdreg $0xFFFFFFFF  }
0xa7: {  	s28 =	simm.s32 $_size_execute0_lowered;
	s3 =	sadd.s32 s3, s5;
	[dreg:$0x0] =	wrdreg $0x0  }
0xa8: {  	s5 =	sshll.u32 s28, $0x1;
	[dreg:$0x2] =	wrdreg s3  }
0xa9: {  	[dreg:$0x3] =	wrdreg s5  }
0xaa: {  	[dreg:$0x4] =	wrdreg $0xC0  }
0xab: {  	_ =	task [dreg:s7], $0x5FFFF  }
0xac: {  	[dreg:$0x1] =	wrdreg $0xFFFFFFFF  }
0xad: {  	[dreg:$0x0] =	wrdreg $0x60  }
0xae: {  	[dreg:$0x2] =	wrdreg s24  }
0xaf: {  	[dreg:$0x3] =	wrdreg s2  }
0xb0: {  	[dreg:$0x4] =	wrdreg $0x23000  }
0xb1: {  	[dreg:$0x5] =	wrdreg $0x9  }
0xb2: {  	_ =	task.clear_ibuf [dreg:s7], $0x6FFFF;
	_ =	strace $0x90000046  }
0xb3: {  	s29 =	simm.s32 $0x9;
	_ =	strace $0x80000048  }
0xb4: {  	_ =	swait.ge [sflag:s29], $0x1  }
0xb5: {  	[sflag:s29] =	ssyncadd.s32 $0xFFFFFFFF  }
0xb6: {  	_ =	strace $0x90000048  }
0xb7: {  	_ =	sfence  }
0xb8: {  	s30 =	sld [smem:$0x0];
	_ =	sdelay $0x2  }
0xb9: {  	s31 =	sshll.u32 s1, $0xD;
	s1 =	sshrl.u32 s1, $0x2  }
0xba: {  	s3 =	sand.u32 $0x4000, s31;
	s1 =	sadd.s32 s1, s30  }
0xbb: {  	s0 =	sor.u32 s3, s0;
	s1 =	sshll.u32 s1, $0x11  }
0xbc: {  	s0 =	sor.u32 s1, s0  }
0xbd: {  	s0 =	sadd.s32 $0x8F2B, s0  }
0xbe: {  	[sflag:s0] =	ssyncadd.remote.s32 $0x1  }
0xbf: {  	_ =	sfence.sel $0xFFFF  }
0xc0: {  	[dreg:$0x0] =	wrdreg $0xFFFFFFFF;
	(pc) =	sbr.abs _section_cstart, $3  }
0xc1: {  	[dreg:$0x1] =	wrdreg $0xFFFFFFFF  }
0xc2: {  	_ =	task.clear_ibuf [dreg:s7], $0x2FFFF;
	_ =	strace $0x9FFFFFFF  }
0xc3: {  	(tm) =	ssettm $0x7FFFFFFF  }
tec
execute0_lowered:
.L_overlay_start_1:
0x0: {  	(tag) =	ssettag $0x1  }
0x1: {  	s4 =	rddreg [dreg:$0x0]  }
0x2: {  	s6 =	rddreg [dreg:$0x1]  }
0x3: {  	s1 =	rddreg [dreg:$0x2]  }
0x4: {  	s0 =	rddreg [dreg:$0x3]  }
0x5: {  	s3 =	simm.s32 $0x0;
	s5 =	srdreg.scid;
	s2 =	stileid.u32  }
0x6: {  	s11 =	simm.s32 $0x2000;
	s12 =	simm.s32 $0x80;
	s13 =	simm.s32 $0x100  }
0x7: {  	s14 =	simm.s32 $0x0;
	[smem:$0x7FF] =	sst s3;
	s9 =	smul.u32 $0xA00, s2  }
0x8: {  	s5 =	sand.u32 $0x1, s5;
	s7 =	sshll.u32 s2, $0xA;
	s10 =	smul.u32 $0x500, s2  }
0x9: {  	_ =	strace $0x80000047;
	s8 =	ssub.s32 $0x2, s5;
	s4 =	sadd.s32 s7, s4  }
0xa: {  	s30 =	sshll.u32 s5, $0xE;
	s5 =	sshll.u32 s5, $0x7;
	s29 =	sshrl.u32 s8, $0x1  }
0xb: {  	s9 =	sshrl.u32 s9, $0x2;
	s10 =	sor.u32 s5, s10;
	s7 =	ssub.s32 s8, s29  }
0xc: {  	s8 =	sadd.s32 s30, s4;
	s4 =	sadd.s32 s9, s1;
	s31 =	sshrl.u32 s10, $0x3  }
0xd: {  	s9 =	simm.s32 $0x1;
	s10 =	simm.s32 $0x50;
	s5 =	sadd.s32 $0x400, s8  }
0xe: {  	v0 =	vimm.f32 $0.0e+00;
	v1 =	vimm.f32 $1.000000000e+00;
	s6 =	sadd.s32 s6, s31;
	s7 =	smax.u32 s7, $0x1;
	s8 =	simm.s32 $0x2080  }
.LBB2_1:
0xf: {  	[tilespmem:$0x2080] =	vst v0  }
0x10: {  	[tilespmem:$0x2090] =	vst v0  }
0x11: {  	[tilespmem:$0x20A0] =	vst v0  }
0x12: {  	[tilespmem:$0x20B0] =	vst v0  }
0x13: {  	[tilespmem:$0x20C0] =	vst v0  }
0x14: {  	[tilespmem:$0x20D0] =	vst v0  }
0x15: {  	[tilespmem:$0x20E0] =	vst v0  }
0x16: {  	[tilespmem:$0x20F0] =	vst v0  }
0x17: {  	[tilespmem:$0x2100] =	vst v0  }
0x18: {  	[tilespmem:$0x2110] =	vst v0  }
0x19: {  	[tilespmem:$0x2120] =	vst v0  }
0x1a: {  	[tilespmem:$0x2130] =	vst v0  }
0x1b: {  	[tilespmem:$0x2140] =	vst v0  }
0x1c: {  	[tilespmem:$0x2150] =	vst v0  }
0x1d: {  	[tilespmem:$0x2160] =	vst v0  }
0x1e: {  	[tilespmem:$0x2170] =	vst v0  }
0x1f: {  	[tilespmem:$0x2180] =	vst v0  }
0x20: {  	[tilespmem:$0x2190] =	vst v0  }
0x21: {  	[tilespmem:$0x21A0] =	vst v0  }
0x22: {  	[tilespmem:$0x21B0] =	vst v0  }
0x23: {  	[tilespmem:$0x21C0] =	vst v0  }
0x24: {  	[tilespmem:$0x21D0] =	vst v0  }
0x25: {  	[tilespmem:$0x21E0] =	vst v0  }
0x26: {  	[tilespmem:$0x21F0] =	vst v0  }
0x27: {  	[tilespmem:$0x2200] =	vst v0  }
0x28: {  	[tilespmem:$0x2210] =	vst v0  }
0x29: {  	[tilespmem:$0x2220] =	vst v0  }
0x2a: {  	[tilespmem:$0x2230] =	vst v0  }
0x2b: {  	[tilespmem:$0x2240] =	vst v0  }
0x2c: {  	[tilespmem:$0x2250] =	vst v0  }
0x2d: {  	[tilespmem:$0x2260] =	vst v0  }
0x2e: {  	[tilespmem:$0x2270] =	vst v0  }
0x2f: {  	[tilespmem:$0x2280] =	vst v0  }
0x30: {  	[tilespmem:$0x2290] =	vst v0  }
0x31: {  	[tilespmem:$0x22A0] =	vst v0  }
0x32: {  	[tilespmem:$0x22B0] =	vst v0  }
0x33: {  	[tilespmem:$0x22C0] =	vst v0  }
0x34: {  	[tilespmem:$0x22D0] =	vst v0  }
0x35: {  	[tilespmem:$0x22E0] =	vst v0  }
0x36: {  	[tilespmem:$0x22F0] =	vst v0  }
0x37: {  	[tilespmem:$0x2000] =	vst v1  }
0x38: {  	[tilespmem:$0x2010] =	vst v1  }
0x39: {  	[tilespmem:$0x2020] =	vst v1  }
0x3a: {  	[tilespmem:$0x2030] =	vst v1  }
0x3b: {  	[tilespmem:$0x2040] =	vst v1  }
0x3c: {  	[spmem:s4] =	stream.linear.scatter [tilespmem:s8], [sflag:$0x1], $0x280, $0x38;
	[tilespmem:$0x2580] =	vst v63  }
0x3d: {  	_ =	swait.ge [sflag:s9], $0x280  }
0x3e: {  	[sflag:s9] =	ssyncset.done $0x0  }
0x3f: {  	[sflag:s9] =	ssyncadd.s32 $0xFFFFFD80  }
0x40: {  	[tilespmem:s3], [sflag:$0x1] =	stream.linear.gather [hbm4b:s5+s3], $0x2000, $0x38;
	[tilespmem:$0x2580] =	vst v63  }
0x41: {  	_ =	swait.ge [sflag:s9], $0x2000  }
0x42: {  	[sflag:s9] =	ssyncset.done $0x0  }
0x43: {  	[sflag:s9] =	ssyncadd.s32 $0xFFFFE000  }
0x44: {  	s15 =	simm.s32 $0x0;
	[bflag:$0x0] =	sbarrier.arrive $0xFFFF  }
0x45: {  	[spmem:s1] =	stream.indirect.scatter.add.f32 [tilespmem:s11], [sflag:$0x1], $0x1, s15, s10, $0xb8;
	[tilespmem:$0x2580] =	vst v63  }
0x46: {  	_ =	swait.ge [sflag:s9], $0x50  }
0x47: {  	s15 =	simm.s32 $0x200;
	[sflag:s9] =	ssyncset.done $0x0  }
.LBB2_2:
0x48: {  	s16 =	sshra.s32 s15, $0x2;
	[sflag:s9] =	ssyncadd.s32 $0xFFFFFFB0;
	p0 =	sne.s32 s15, $0x7E00  }
0x49: {  	[spmem:s1] =	stream.indirect.scatter.add.f32 [tilespmem:s11], [sflag:$0x1], $0x1, s16, s10, $0xb8;
	[tilespmem:$0x2580] =	vst v63  }
.Ltmp0:
0x4a: {  	_ = 	snop;
	(pc) =	sbr.rel @p0 .LBB2_2-.Ltmp0, $4  }
0x4b: {  	_ = 	snop  }
0x4c: {  	s15 =	sadd.s32 $0x200, s15  }
0x4d: {  	_ =	swait.ge [sflag:s9], $0x50  }
0x4e: {  	[sflag:s9] =	ssyncset.done $0x0  }
0x4f: {  	[sflag:s9] =	ssyncadd.s32 $0xFFFFFFB0  }
0x50: {  	[bflag:$0x0] =	sbarrier.arrive $0xFFFF  }
0x51: {  	[tilespmem:s8], [sflag:$0x1] =	stream.linear.gather [spmem:s4], $0x280, $0x38;
	[tilespmem:$0x2580] =	vst v63  }
0x52: {  	s14 =	sadd.s32 $0x1, s14;
	_ =	swait.ge [sflag:s9], $0x280  }
0x53: {  	p0 =	sne.s32 s14, s7;
	[sflag:s9] =	ssyncset.done $0x0  }
.Ltmp1:
0x54: {  	[sflag:s9] =	ssyncadd.s32 $0xFFFFFD80;
	(pc) =	sbr.rel @p0 .LBB2_1-.Ltmp1, $4  }
0x55: {  	[hbm4b:s6+s12] =	stream.strided.scatter [tilespmem:s8], [sflag:$0x1], $0x280, s13, s12, $0x38;
	[tilespmem:$0x2580] =	vst v63  }
0x56: {  	_ =	swait.ge [sflag:s9], $0x280  }
0x57: {  	[sflag:s9] =	ssyncset.done $0x0  }
0x58: {  	[sflag:s9] =	ssyncadd.s32 $0xFFFFFD80  }
0x59: {  	_ =	sfence.sel $0x180000  }
0x5a: {  	[bflag:$0x0] =	sbarrier.arrive $0xFFFF  }
0x5b: {  	p0 =	sne.s32 s2, $0x0;
	_ =	strace $0x90000047  }
0x5c: {  	s0 =	sadd.s32 @!p0 $0x100000, s0;
	[bflag:$0x2] =	sbarrier.arrive $0xFFFF  }
0x5d: {  	[sflag:s0] =	ssyncadd.tile.s32 @!p0 $0x1;
	_ =	shalt  }
.Lfunc_end2:
_tile_overlayer_lowered:
.L_overlay_start_2:
0x5e: {  	(tag) =	ssettag $0x2  }
0x5f: {  	s0 =	rddreg [dreg:$0x0];
	s2 =	stileid.u32  }
0x60: {  	s1 =	rddreg [dreg:$0x1];
	p0 =	sne.s32 s2, $0x0  }
0x61: {  	s3 =	rddreg [dreg:$0x2];
	[bflag:$0x3] =	sbarrier.arrive $0xFFFF;
	s2 =	simm.s32 @!p0 $0x1C01  }
0x62: {  	[timem:s3], [sflag:s2] =	dma.local @!p0 [hbm:s0], s1  }
0x63: {  	s0 =	simm.s32 @!p0 $0x1  }
0x64: {  	_ =	swait.ge @!p0 [sflag:s0], s1  }
0x65: {  	s1 =	ssub.s32 @!p0 $0x0, s1;
	[sflag:s0] =	ssyncset.done @!p0 $0x0  }
0x66: {  	[sflag:s0] =	ssyncadd.s32 @!p0 s1  }
0x67: {  	[bflag:$0x3] =	sbarrier.arrive $0xFFFF  }
0x68: {  	_ =	shalt  }

</sc_bundles>
